<compile_context>
chip_gen: v7x
topology: tpu7x:2x2x1
jax: 0.10.2.dev20260603
libtpu: 0.0.44.dev20260713+nightly
codegen_flags: <defaults>
</compile_context>

<pallas_src>
import functools

import jax
import jax.numpy as jnp
from jax import lax
from jax.experimental import pallas as pl
from jax.experimental.pallas import tpu as pltpu
from jax.experimental.pallas import tpu_sc as plsc

N = 10000
D = 128
E = 320000

NC = 2
NS = 16
NW = NC * NS
CHUNK = 100
NCHK = E // CHUNK
CPW = NCHK // NW
GRP = 2
GPT = CPW // GRP
NBODY = 16
N_PAD = 10240
RPT = N_PAD // NS

ROW_BLK = 1024


EPW = 10240
TAIL_E = E - (NW - 1) * EPW


def _deg_body(ei_hbm, zeros_hbm, out_hbm, cnt, idx_v):
    c = lax.axis_index("c")
    s = lax.axis_index("s")
    wid = s * NC + c
    pltpu.sync_copy(zeros_hbm, cnt)

    @pl.when(wid < NW - 1)
    def _():
        pltpu.sync_copy(ei_hbm.at[0, pl.ds(wid * EPW, EPW)], idx_v)

    @pl.when(wid == NW - 1)
    def _():
        pltpu.sync_copy(ei_hbm.at[0, pl.ds((NW - 1) * EPW, TAIL_E)],
                        idx_v.at[pl.ds(0, TAIL_E)])

    ones = jnp.ones((16,), jnp.float32)
    nc = jnp.where(wid == NW - 1, TAIL_E // 128, EPW // 128)

    def chunk(ci, carry):
        for j in range(8):
            iv = idx_v[pl.ds(ci * 128 + j * 16, 16)]
            plsc.addupdate_scatter(cnt, [iv], ones)
        return carry

    lax.fori_loop(0, nc, chunk, 0)
    pltpu.sync_copy(cnt, out_hbm.at[wid])


@jax.jit
def _deg_call(edge_index, zeros1d):
    mesh = plsc.VectorSubcoreMesh(core_axis_name="c", subcore_axis_name="s")
    return pl.kernel(
        _deg_body,
        out_type=jax.ShapeDtypeStruct((NW, N_PAD), jnp.float32),
        mesh=mesh,
        scratch_types=[
            pltpu.VMEM((N_PAD,), jnp.float32),
            pltpu.VMEM((EPW,), jnp.int32),
        ],
        compiler_params=pltpu.CompilerParams(needs_layout_passes=False),
    )(edge_index, zeros1d)


def _msg_body(ei_hbm, g_hbm, zeros_hbm, out_hbm,
              acc, iAr, iAc, iBr, iBc, iCr, iCc, m0, m1, m2,
              sg0, sg1, sg2, ss0, ss1, ss2, siA, siB, siC):
    c = lax.axis_index("c")
    s = lax.axis_index("s")
    wid = s * NC + c
    pltpu.sync_copy(zeros_hbm, acc.at[pl.ds(s * RPT, RPT)])
    plsc.subcore_barrier()

    M = [(m0, sg0, ss0), (m1, sg1, ss1), (m2, sg2, ss2)]
    SETS = [(iAr, iAc, siA), (iBr, iBc, siB), (iCr, iCc, siC)]

    def start(k, cref):
        buf, sg, _ = M[k % 3]
        pltpu.async_copy(g_hbm.at[cref], buf, sg)

    def wait_g(k):
        buf, sg, _ = M[k % 3]
        pltpu.make_async_copy(g_hbm.at[iAc.at[0]], buf, sg).wait()

    def scat(k, rref):
        buf, _, ss = M[k % 3]
        pltpu.async_copy(buf, acc.at[rref], ss, add=True)

    def wait_scat(k):
        buf, _, ss = M[k % 3]
        pltpu.make_async_copy(buf, acc.at[iAr.at[0]], ss).wait()

    def fetch_idx(setno, glocal):
        rbuf, cbuf, si = SETS[setno]
        gg = wid * GPT + glocal
        pltpu.async_copy(ei_hbm.at[0, pl.ds(gg * GRP, GRP)], rbuf, si)
        pltpu.async_copy(ei_hbm.at[1, pl.ds(gg * GRP, GRP)], cbuf, si)

    def wait_idx(setno):
        rbuf, cbuf, si = SETS[setno]
        pltpu.make_async_copy(ei_hbm.at[0, pl.ds(0, GRP)], rbuf, si).wait()
        pltpu.make_async_copy(ei_hbm.at[1, pl.ds(0, GRP)], cbuf, si).wait()

    def idxrow(k):
        rbuf, cbuf, _ = SETS[(k % 6) // 2]
        return rbuf.at[k % 2], cbuf.at[k % 2]

    def emit_body(i, first):
        for k in range(6):
            if k == 1:
                wait_idx(1)
            if k == 2:
                fetch_idx(2, 3 * i + 2)
            if k == 3:
                wait_idx(2)
            if k == 4:
                fetch_idx(0, 3 * i + 3)
            if k == 5:
                wait_idx(0)
            if not (first and k < 2):
                wait_scat(k + 1)
            _, cref = idxrow(k + 1)
            start(k + 1, cref)
            wait_g(k)
            rref, _ = idxrow(k)
            scat(k, rref)
        fetch_idx(1, 3 * i + 4)

    fetch_idx(0, 0)
    wait_idx(0)
    fetch_idx(1, 1)
    _, c0 = idxrow(0)
    start(0, c0)
    emit_body(0, first=True)

    def body(i, carry):
        emit_body(i, first=False)
        return carry

    lax.fori_loop(1, NBODY, body, 0)

    wait_idx(1)
    for k, (setno, row) in enumerate([(0, 0), (0, 1), (1, 0), (1, 1)]):
        kk = 96 + k
        if k > 0:
            wait_g(kk)
            scat(kk, SETS[setno][0].at[row])
        else:
            wait_g(kk)
            scat(kk, SETS[setno][0].at[row])
        if k < 3:
            nxt = 96 + k + 1
            s2, r2 = [(0, 1), (1, 0), (1, 1)][k]
            wait_scat(nxt)
            start(nxt, SETS[s2][1].at[r2])
    for k in (97, 98, 99):
        wait_scat(k)

    plsc.subcore_barrier()
    pltpu.sync_copy(acc.at[pl.ds(s * RPT, RPT)],
                    out_hbm.at[c, pl.ds(s * RPT, RPT)])


@jax.jit
def _msg_call(ei3, g, zeros128):
    mesh = plsc.VectorSubcoreMesh(core_axis_name="c", subcore_axis_name="s")
    idx = pltpu.VMEM((GRP, CHUNK), jnp.int32)
    msg = pltpu.VMEM((CHUNK, D), jnp.float32)
    sem = pltpu.SemaphoreType.DMA
    return pl.kernel(
        _msg_body,
        out_type=jax.ShapeDtypeStruct((NC, N_PAD, D), jnp.float32),
        mesh=mesh,
        scratch_types=[
            pltpu.VMEM_SHARED((N_PAD, D), jnp.float32),
            idx, idx, idx, idx, idx, idx, msg, msg, msg,
            sem, sem, sem, sem, sem, sem, sem, sem, sem,
        ],
        compiler_params=pltpu.CompilerParams(use_tc_tiling_on_sc=False),
    )(ei3, g, zeros128)


def _g_body(x_ref, w_ref, b_ref, degp_ref, g_ref):
    h = lax.dot_general(x_ref[...], w_ref[...], (((1,), (1,)), ((), ())),
                        preferred_element_type=jnp.float32) + b_ref[...]
    deg = jnp.sum(degp_ref[...], axis=0) + 1.0
    dis = lax.rsqrt(deg)
    g_ref[...] = h * dis[:, None]


@jax.jit
def _g_call(x, W, b2, degp):
    grid = N_PAD // ROW_BLK
    return pl.pallas_call(
        _g_body,
        grid=(grid,),
        in_specs=[
            pl.BlockSpec((ROW_BLK, D), lambda i: (i, 0)),
            pl.BlockSpec((D, D), lambda i: (0, 0)),
            pl.BlockSpec((1, D), lambda i: (0, 0)),
            pl.BlockSpec((NW, ROW_BLK), lambda i: (0, i)),
        ],
        out_specs=pl.BlockSpec((ROW_BLK, D), lambda i: (i, 0)),
        out_shape=jax.ShapeDtypeStruct((N_PAD, D), jnp.float32),
    )(x, W, b2, degp)


def _out_body(p_ref, g_ref, degp_ref, o_ref):
    deg = jnp.sum(degp_ref[...], axis=0) + 1.0
    dis = lax.rsqrt(deg)
    o_ref[...] = (p_ref[0] + p_ref[1] + g_ref[...]) * dis[:, None]


@jax.jit
def _out_call(p, g, degp):
    grid = N_PAD // ROW_BLK
    return pl.pallas_call(
        _out_body,
        grid=(grid,),
        in_specs=[
            pl.BlockSpec((NC, ROW_BLK, D), lambda i: (0, i, 0)),
            pl.BlockSpec((ROW_BLK, D), lambda i: (i, 0)),
            pl.BlockSpec((NW, ROW_BLK), lambda i: (0, i)),
        ],
        out_specs=pl.BlockSpec((ROW_BLK, D), lambda i: (i, 0)),
        out_shape=jax.ShapeDtypeStruct((N, D), jnp.float32),
    )(p, g, degp)


def kernel(x, edge_index, W, b):
    ei = edge_index.astype(jnp.int32)
    ei3 = ei.reshape(2, NCHK, CHUNK)
    zeros1d = jnp.zeros((N_PAD,), jnp.float32)
    zeros128 = jnp.zeros((RPT, D), jnp.float32)

    degp = _deg_call(ei, zeros1d)
    g = _g_call(x, W, b.reshape(1, D), degp)
    p = _msg_call(ei3, g, zeros128)
    return _out_call(p, g, degp)

# --- scband reference (transcript-rebuilt; emitter-appended) ---
"""Pipeline reference for scband-graph-conv-76141180224085 (READ-ONLY COPY).

The authoritative reference and input builder live on the scoring server;
editing this copy changes nothing except your own understanding.
"""

import jax, jax.numpy as jnp
import numpy as np

N = 10000
E = 320000
D = 128


def setup_inputs(seed: int = 0) -> dict:
    key = jax.random.key(seed)
    k1, k2, k3, k4 = jax.random.split(key, 4)
    x = jax.random.normal(k1, (N, D), dtype=jnp.float32)
    edge_index = jax.random.randint(k2, (2, E), 0, N)
    W = jax.random.normal(k3, (D, D), dtype=jnp.float32) * 0.05
    b = jax.random.normal(k4, (D,), dtype=jnp.float32) * 0.05
    return {"x": x, "edge_index": edge_index, "W": W, "b": b}


def reference(x, edge_index, W, b):
    n = x.shape[0]
    # add self loops
    loops = jnp.arange(n, dtype=edge_index.dtype)
    ei = jnp.concatenate([edge_index, jnp.stack([loops, loops], axis=0)], axis=1)
    row, col = ei[0], ei[1]
    # degree of row indices via scatter-add
    deg = jax.ops.segment_sum(jnp.ones((row.shape[0],), dtype=x.dtype), row, num_segments=n)
    deg_inv_sqrt = jnp.power(deg, -0.5)
    deg_inv_sqrt = jnp.where(jnp.isinf(deg_inv_sqrt), 0.0, deg_inv_sqrt)
    norm = deg_inv_sqrt[row] * deg_inv_sqrt[col]
    # linear layer
    h = x @ W.T + b
    # sparse adj @ h : out[row] += norm * h[col]
    msg = norm[:, None] * jnp.take(h, col, axis=0)
    out = jax.ops.segment_sum(msg, row, num_segments=n)
    return out

if __name__ == "__main__":
    import jax
    _d = setup_inputs()
    print(jax.jit(kernel)(*tuple(_d.values())))

</pallas_src>

<mosaic_0001>
#map = affine_map<(d0, d1) -> (0, 0)>
#map1 = affine_map<(d0, d1) -> (0)>
module attributes {stable_mosaic.version = 14 : i64} {
  func.func @_deg_body(%arg0: i32, %arg1: i32, %arg2: memref<2x320000xi32, #tpu.memory_space<hbm>>, %arg3: memref<10240xf32, #tpu.memory_space<hbm>>, %arg4: memref<32x10240xf32, #tpu.memory_space<hbm>>, %arg5: memref<10240xf32, #tpu.memory_space<vmem>>, %arg6: memref<10240xi32, #tpu.memory_space<vmem>>) attributes {dimension_semantics = [#tpu.dimension_semantics<core_parallel>, #tpu.dimension_semantics<subcore_parallel>], iteration_bounds = array<i64: 2, 16>, scalar_prefetch = 0 : i64, scratch_operands = 2 : i64, tpu.core_type = #tpu.core_type<sc_vector_subcore>, window_params = [{transform_indices = #map}, {transform_indices = #map1}, {transform_indices = #map}]} {
    %mul3A = arith.constant 2 : i32
    %mul3A_0 = arith.muli %arg1, %mul3A : i32
    %add3A = arith.addi %mul3A_0, %arg0 : i32
    "tpu.region"() ({
      %run_scoped3A = tpu.sem_alloc : memref<!tpu.dma_semaphore, #tpu.memory_space<semaphore_mem>>
      tpu.enqueue_dma source(%arg3 : memref<10240xf32, #tpu.memory_space<hbm>>) target(%arg5 : memref<10240xf32, #tpu.memory_space<vmem>>) target_semaphore(%run_scoped3A : memref<!tpu.dma_semaphore, #tpu.memory_space<semaphore_mem>>)
      tpu.wait_dma2 semaphore(%run_scoped3A : memref<!tpu.dma_semaphore, #tpu.memory_space<semaphore_mem>>) src(%arg3 : memref<10240xf32, #tpu.memory_space<hbm>>) dst(%arg5 : memref<10240xf32, #tpu.memory_space<vmem>>)
      tpu.yield
    }) : () -> ()
    %lt3A = arith.constant 31 : i32
    %lt3A_1 = arith.cmpi slt, %add3A, %lt3A : i32
    %convert_element_type3A = arith.extui %lt3A_1 : i1 to i32
    %cond3A = arith.constant 0 : i32
    %cond3A_2 = arith.cmpi ne, %convert_element_type3A, %cond3A : i32
    scf.if %cond3A_2 {
      %mul3A_20 = arith.constant 10240 : i32
      %mul3A_21 = arith.muli %add3A, %mul3A_20 : i32
      %run_scoped3A = arith.constant 0 : i32
      "tpu.region"() ({
        %run_scoped3A_22 = tpu.sem_alloc : memref<!tpu.dma_semaphore, #tpu.memory_space<semaphore_mem>>
        %dma_start3A = tpu.memref_slice %arg2[%run_scoped3A, %mul3A_21] : memref<2x320000xi32, #tpu.memory_space<hbm>> -> memref<1x10240xi32, #tpu.memory_space<hbm>>
        %dma_start3A_23 = tpu.memref_squeeze %dma_start3A : memref<1x10240xi32, #tpu.memory_space<hbm>> -> memref<10240xi32, #tpu.memory_space<hbm>>
        %dma_start3A_24 = tpu.memref_slice %arg2[%run_scoped3A, %mul3A_21] : memref<2x320000xi32, #tpu.memory_space<hbm>> -> memref<1x10240xi32, #tpu.memory_space<hbm>>
        %dma_start3A_25 = tpu.memref_squeeze %dma_start3A_24 : memref<1x10240xi32, #tpu.memory_space<hbm>> -> memref<10240xi32, #tpu.memory_space<hbm>>
        tpu.enqueue_dma source(%dma_start3A_25 : memref<10240xi32, #tpu.memory_space<hbm>>) target(%arg6 : memref<10240xi32, #tpu.memory_space<vmem>>) target_semaphore(%run_scoped3A_22 : memref<!tpu.dma_semaphore, #tpu.memory_space<semaphore_mem>>)
        %dma_wait3A = tpu.memref_slice %arg2[%run_scoped3A, %mul3A_21] : memref<2x320000xi32, #tpu.memory_space<hbm>> -> memref<1x10240xi32, #tpu.memory_space<hbm>>
        %dma_wait3A_26 = tpu.memref_squeeze %dma_wait3A : memref<1x10240xi32, #tpu.memory_space<hbm>> -> memref<10240xi32, #tpu.memory_space<hbm>>
        %dma_wait3A_27 = tpu.memref_slice %arg2[%run_scoped3A, %mul3A_21] : memref<2x320000xi32, #tpu.memory_space<hbm>> -> memref<1x10240xi32, #tpu.memory_space<hbm>>
        %dma_wait3A_28 = tpu.memref_squeeze %dma_wait3A_27 : memref<1x10240xi32, #tpu.memory_space<hbm>> -> memref<10240xi32, #tpu.memory_space<hbm>>
        tpu.wait_dma2 semaphore(%run_scoped3A_22 : memref<!tpu.dma_semaphore, #tpu.memory_space<semaphore_mem>>) src(%dma_wait3A_28 : memref<10240xi32, #tpu.memory_space<hbm>>) dst(%arg6 : memref<10240xi32, #tpu.memory_space<vmem>>)
        tpu.yield
      }) : () -> ()
    } else {
    }
    %eq3A = arith.constant 31 : i32
    %eq3A_3 = arith.cmpi eq, %add3A, %eq3A : i32
    %convert_element_type3A_4 = arith.extui %eq3A_3 : i1 to i32
    %cond3A_5 = arith.constant 0 : i32
    %cond3A_6 = arith.cmpi ne, %convert_element_type3A_4, %cond3A_5 : i32
    scf.if %cond3A_6 {
      %run_scoped3A = arith.constant 0 : i32
      "tpu.region"() ({
        %run_scoped3A_20 = tpu.sem_alloc : memref<!tpu.dma_semaphore, #tpu.memory_space<semaphore_mem>>
        %dma_start3A = arith.constant 0 : i32
        %dma_start3A_21 = tpu.memref_slice %arg6[%dma_start3A] : memref<10240xi32, #tpu.memory_space<vmem>> -> memref<2560xi32, #tpu.memory_space<vmem>>
        %dma_start3A_22 = arith.constant 317440 : i32
        %dma_start3A_23 = tpu.memref_slice %arg2[%run_scoped3A, %dma_start3A_22] : memref<2x320000xi32, #tpu.memory_space<hbm>> -> memref<1x2560xi32, #tpu.memory_space<hbm>>
        %dma_start3A_24 = tpu.memref_squeeze %dma_start3A_23 : memref<1x2560xi32, #tpu.memory_space<hbm>> -> memref<2560xi32, #tpu.memory_space<hbm>>
        %dma_start3A_25 = arith.constant 0 : i32
        %dma_start3A_26 = tpu.memref_slice %arg6[%dma_start3A_25] : memref<10240xi32, #tpu.memory_space<vmem>> -> memref<2560xi32, #tpu.memory_space<vmem>>
        %dma_start3A_27 = arith.constant 317440 : i32
        %dma_start3A_28 = tpu.memref_slice %arg2[%run_scoped3A, %dma_start3A_27] : memref<2x320000xi32, #tpu.memory_space<hbm>> -> memref<1x2560xi32, #tpu.memory_space<hbm>>
        %dma_start3A_29 = tpu.memref_squeeze %dma_start3A_28 : memref<1x2560xi32, #tpu.memory_space<hbm>> -> memref<2560xi32, #tpu.memory_space<hbm>>
        tpu.enqueue_dma source(%dma_start3A_29 : memref<2560xi32, #tpu.memory_space<hbm>>) target(%dma_start3A_26 : memref<2560xi32, #tpu.memory_space<vmem>>) target_semaphore(%run_scoped3A_20 : memref<!tpu.dma_semaphore, #tpu.memory_space<semaphore_mem>>)
        %dma_wait3A = arith.constant 0 : i32
        %dma_wait3A_30 = tpu.memref_slice %arg6[%dma_wait3A] : memref<10240xi32, #tpu.memory_space<vmem>> -> memref<2560xi32, #tpu.memory_space<vmem>>
        %dma_wait3A_31 = arith.constant 317440 : i32
        %dma_wait3A_32 = tpu.memref_slice %arg2[%run_scoped3A, %dma_wait3A_31] : memref<2x320000xi32, #tpu.memory_space<hbm>> -> memref<1x2560xi32, #tpu.memory_space<hbm>>
        %dma_wait3A_33 = tpu.memref_squeeze %dma_wait3A_32 : memref<1x2560xi32, #tpu.memory_space<hbm>> -> memref<2560xi32, #tpu.memory_space<hbm>>
        %dma_wait3A_34 = arith.constant 0 : i32
        %dma_wait3A_35 = tpu.memref_slice %arg6[%dma_wait3A_34] : memref<10240xi32, #tpu.memory_space<vmem>> -> memref<2560xi32, #tpu.memory_space<vmem>>
        %dma_wait3A_36 = arith.constant 317440 : i32
        %dma_wait3A_37 = tpu.memref_slice %arg2[%run_scoped3A, %dma_wait3A_36] : memref<2x320000xi32, #tpu.memory_space<hbm>> -> memref<1x2560xi32, #tpu.memory_space<hbm>>
        %dma_wait3A_38 = tpu.memref_squeeze %dma_wait3A_37 : memref<1x2560xi32, #tpu.memory_space<hbm>> -> memref<2560xi32, #tpu.memory_space<hbm>>
        tpu.wait_dma2 semaphore(%run_scoped3A_20 : memref<!tpu.dma_semaphore, #tpu.memory_space<semaphore_mem>>) src(%dma_wait3A_38 : memref<2560xi32, #tpu.memory_space<hbm>>) dst(%dma_wait3A_35 : memref<2560xi32, #tpu.memory_space<vmem>>)
        tpu.yield
      }) : () -> ()
    } else {
    }
    %broadcast_in_dim3A = arith.constant 1.000000e+00 : f32
    %broadcast_in_dim3A_7 = vector.broadcast %broadcast_in_dim3A : f32 to vector<16xf32>
    %eq3A_8 = arith.constant 31 : i32
    %eq3A_9 = arith.cmpi eq, %add3A, %eq3A_8 : i32
    %jit3A = arith.constant 20 : i32
    %jit3A_10 = arith.constant 80 : i32
    %select_n3A = arith.select %eq3A_9, %jit3A, %jit3A_10 : i32
    %while3A = arith.constant 0 : i32
    %while3A_11 = arith.constant 0 : i32
    %while3A_12 = arith.subi %select_n3A, %while3A_11 : i32
    %while3A_13 = arith.addi %while3A_11, %while3A_12 : i32
    %while3A_14 = arith.constant 1 : i32
    %while3A_15 = arith.divsi %while3A_12, %while3A_14 : i32
    %while3A_16 = arith.muli %while3A_15, %while3A_14 : i32
    %while3A_17 = arith.addi %while3A_11, %while3A_16 : i32
    %while3A_18 = arith.constant 1 : i32
    scf.for %while3A_20 = %while3A_11 to %while3A_17 step %while3A_18  : i32 {
      %mul3A_21 = arith.constant 128 : i32
      %mul3A_22 = arith.muli %while3A_20, %mul3A_21 : i32
      %add3A_23 = arith.constant 0 : i32
      %add3A_24 = arith.addi %mul3A_22, %add3A_23 : i32
      %get3A = arith.index_cast %add3A_24 : i32 to index
      %get3A_25 = tpu.vector_load %arg6[%get3A] {strides = array<i32>} : memref<10240xi32, #tpu.memory_space<vmem>>, vector<16xi32>,
      tpu.vector_store_idx %arg5[%get3A_25], %broadcast_in_dim3A_7 {add = true} : memref<10240xf32, #tpu.memory_space<vmem>>[vector<16xi32>], vector<16xf32>,
      %mul3A_26 = arith.constant 128 : i32
      %mul3A_27 = arith.muli %while3A_20, %mul3A_26 : i32
      %add3A_28 = arith.constant 16 : i32
      %add3A_29 = arith.addi %mul3A_27, %add3A_28 : i32
      %get3A_30 = arith.index_cast %add3A_29 : i32 to index
      %get3A_31 = tpu.vector_load %arg6[%get3A_30] {strides = array<i32>} : memref<10240xi32, #tpu.memory_space<vmem>>, vector<16xi32>,
      tpu.vector_store_idx %arg5[%get3A_31], %broadcast_in_dim3A_7 {add = true} : memref<10240xf32, #tpu.memory_space<vmem>>[vector<16xi32>], vector<16xf32>,
      %mul3A_32 = arith.constant 128 : i32
      %mul3A_33 = arith.muli %while3A_20, %mul3A_32 : i32
      %add3A_34 = arith.constant 32 : i32
      %add3A_35 = arith.addi %mul3A_33, %add3A_34 : i32
      %get3A_36 = arith.index_cast %add3A_35 : i32 to index
      %get3A_37 = tpu.vector_load %arg6[%get3A_36] {strides = array<i32>} : memref<10240xi32, #tpu.memory_space<vmem>>, vector<16xi32>,
      tpu.vector_store_idx %arg5[%get3A_37], %broadcast_in_dim3A_7 {add = true} : memref<10240xf32, #tpu.memory_space<vmem>>[vector<16xi32>], vector<16xf32>,
      %mul3A_38 = arith.constant 128 : i32
      %mul3A_39 = arith.muli %while3A_20, %mul3A_38 : i32
      %add3A_40 = arith.constant 48 : i32
      %add3A_41 = arith.addi %mul3A_39, %add3A_40 : i32
      %get3A_42 = arith.index_cast %add3A_41 : i32 to index
      %get3A_43 = tpu.vector_load %arg6[%get3A_42] {strides = array<i32>} : memref<10240xi32, #tpu.memory_space<vmem>>, vector<16xi32>,
      tpu.vector_store_idx %arg5[%get3A_43], %broadcast_in_dim3A_7 {add = true} : memref<10240xf32, #tpu.memory_space<vmem>>[vector<16xi32>], vector<16xf32>,
      %mul3A_44 = arith.constant 128 : i32
      %mul3A_45 = arith.muli %while3A_20, %mul3A_44 : i32
      %add3A_46 = arith.constant 64 : i32
      %add3A_47 = arith.addi %mul3A_45, %add3A_46 : i32
      %get3A_48 = arith.index_cast %add3A_47 : i32 to index
      %get3A_49 = tpu.vector_load %arg6[%get3A_48] {strides = array<i32>} : memref<10240xi32, #tpu.memory_space<vmem>>, vector<16xi32>,
      tpu.vector_store_idx %arg5[%get3A_49], %broadcast_in_dim3A_7 {add = true} : memref<10240xf32, #tpu.memory_space<vmem>>[vector<16xi32>], vector<16xf32>,
      %mul3A_50 = arith.constant 128 : i32
      %mul3A_51 = arith.muli %while3A_20, %mul3A_50 : i32
      %add3A_52 = arith.constant 80 : i32
      %add3A_53 = arith.addi %mul3A_51, %add3A_52 : i32
      %get3A_54 = arith.index_cast %add3A_53 : i32 to index
      %get3A_55 = tpu.vector_load %arg6[%get3A_54] {strides = array<i32>} : memref<10240xi32, #tpu.memory_space<vmem>>, vector<16xi32>,
      tpu.vector_store_idx %arg5[%get3A_55], %broadcast_in_dim3A_7 {add = true} : memref<10240xf32, #tpu.memory_space<vmem>>[vector<16xi32>], vector<16xf32>,
      %mul3A_56 = arith.constant 128 : i32
      %mul3A_57 = arith.muli %while3A_20, %mul3A_56 : i32
      %add3A_58 = arith.constant 96 : i32
      %add3A_59 = arith.addi %mul3A_57, %add3A_58 : i32
      %get3A_60 = arith.index_cast %add3A_59 : i32 to index
      %get3A_61 = tpu.vector_load %arg6[%get3A_60] {strides = array<i32>} : memref<10240xi32, #tpu.memory_space<vmem>>, vector<16xi32>,
      tpu.vector_store_idx %arg5[%get3A_61], %broadcast_in_dim3A_7 {add = true} : memref<10240xf32, #tpu.memory_space<vmem>>[vector<16xi32>], vector<16xf32>,
      %mul3A_62 = arith.constant 128 : i32
      %mul3A_63 = arith.muli %while3A_20, %mul3A_62 : i32
      %add3A_64 = arith.constant 112 : i32
      %add3A_65 = arith.addi %mul3A_63, %add3A_64 : i32
      %get3A_66 = arith.index_cast %add3A_65 : i32 to index
      %get3A_67 = tpu.vector_load %arg6[%get3A_66] {strides = array<i32>} : memref<10240xi32, #tpu.memory_space<vmem>>, vector<16xi32>,
      tpu.vector_store_idx %arg5[%get3A_67], %broadcast_in_dim3A_7 {add = true} : memref<10240xf32, #tpu.memory_space<vmem>>[vector<16xi32>], vector<16xf32>,
    }
    %while3A_19 = arith.constant 1 : i32
    scf.for %while3A_20 = %while3A_17 to %while3A_13 step %while3A_19  : i32 {
      %mul3A_21 = arith.constant 128 : i32
      %mul3A_22 = arith.muli %while3A_20, %mul3A_21 : i32
      %add3A_23 = arith.constant 0 : i32
      %add3A_24 = arith.addi %mul3A_22, %add3A_23 : i32
      %get3A = arith.index_cast %add3A_24 : i32 to index
      %get3A_25 = tpu.vector_load %arg6[%get3A] {strides = array<i32>} : memref<10240xi32, #tpu.memory_space<vmem>>, vector<16xi32>,
      tpu.vector_store_idx %arg5[%get3A_25], %broadcast_in_dim3A_7 {add = true} : memref<10240xf32, #tpu.memory_space<vmem>>[vector<16xi32>], vector<16xf32>,
      %mul3A_26 = arith.constant 128 : i32
      %mul3A_27 = arith.muli %while3A_20, %mul3A_26 : i32
      %add3A_28 = arith.constant 16 : i32
      %add3A_29 = arith.addi %mul3A_27, %add3A_28 : i32
      %get3A_30 = arith.index_cast %add3A_29 : i32 to index
      %get3A_31 = tpu.vector_load %arg6[%get3A_30] {strides = array<i32>} : memref<10240xi32, #tpu.memory_space<vmem>>, vector<16xi32>,
      tpu.vector_store_idx %arg5[%get3A_31], %broadcast_in_dim3A_7 {add = true} : memref<10240xf32, #tpu.memory_space<vmem>>[vector<16xi32>], vector<16xf32>,
      %mul3A_32 = arith.constant 128 : i32
      %mul3A_33 = arith.muli %while3A_20, %mul3A_32 : i32
      %add3A_34 = arith.constant 32 : i32
      %add3A_35 = arith.addi %mul3A_33, %add3A_34 : i32
      %get3A_36 = arith.index_cast %add3A_35 : i32 to index
      %get3A_37 = tpu.vector_load %arg6[%get3A_36] {strides = array<i32>} : memref<10240xi32, #tpu.memory_space<vmem>>, vector<16xi32>,
      tpu.vector_store_idx %arg5[%get3A_37], %broadcast_in_dim3A_7 {add = true} : memref<10240xf32, #tpu.memory_space<vmem>>[vector<16xi32>], vector<16xf32>,
      %mul3A_38 = arith.constant 128 : i32
      %mul3A_39 = arith.muli %while3A_20, %mul3A_38 : i32
      %add3A_40 = arith.constant 48 : i32
      %add3A_41 = arith.addi %mul3A_39, %add3A_40 : i32
      %get3A_42 = arith.index_cast %add3A_41 : i32 to index
      %get3A_43 = tpu.vector_load %arg6[%get3A_42] {strides = array<i32>} : memref<10240xi32, #tpu.memory_space<vmem>>, vector<16xi32>,
      tpu.vector_store_idx %arg5[%get3A_43], %broadcast_in_dim3A_7 {add = true} : memref<10240xf32, #tpu.memory_space<vmem>>[vector<16xi32>], vector<16xf32>,
      %mul3A_44 = arith.constant 128 : i32
      %mul3A_45 = arith.muli %while3A_20, %mul3A_44 : i32
      %add3A_46 = arith.constant 64 : i32
      %add3A_47 = arith.addi %mul3A_45, %add3A_46 : i32
      %get3A_48 = arith.index_cast %add3A_47 : i32 to index
      %get3A_49 = tpu.vector_load %arg6[%get3A_48] {strides = array<i32>} : memref<10240xi32, #tpu.memory_space<vmem>>, vector<16xi32>,
      tpu.vector_store_idx %arg5[%get3A_49], %broadcast_in_dim3A_7 {add = true} : memref<10240xf32, #tpu.memory_space<vmem>>[vector<16xi32>], vector<16xf32>,
      %mul3A_50 = arith.constant 128 : i32
      %mul3A_51 = arith.muli %while3A_20, %mul3A_50 : i32
      %add3A_52 = arith.constant 80 : i32
      %add3A_53 = arith.addi %mul3A_51, %add3A_52 : i32
      %get3A_54 = arith.index_cast %add3A_53 : i32 to index
      %get3A_55 = tpu.vector_load %arg6[%get3A_54] {strides = array<i32>} : memref<10240xi32, #tpu.memory_space<vmem>>, vector<16xi32>,
      tpu.vector_store_idx %arg5[%get3A_55], %broadcast_in_dim3A_7 {add = true} : memref<10240xf32, #tpu.memory_space<vmem>>[vector<16xi32>], vector<16xf32>,
      %mul3A_56 = arith.constant 128 : i32
      %mul3A_57 = arith.muli %while3A_20, %mul3A_56 : i32
      %add3A_58 = arith.constant 96 : i32
      %add3A_59 = arith.addi %mul3A_57, %add3A_58 : i32
      %get3A_60 = arith.index_cast %add3A_59 : i32 to index
      %get3A_61 = tpu.vector_load %arg6[%get3A_60] {strides = array<i32>} : memref<10240xi32, #tpu.memory_space<vmem>>, vector<16xi32>,
      tpu.vector_store_idx %arg5[%get3A_61], %broadcast_in_dim3A_7 {add = true} : memref<10240xf32, #tpu.memory_space<vmem>>[vector<16xi32>], vector<16xf32>,
      %mul3A_62 = arith.constant 128 : i32
      %mul3A_63 = arith.muli %while3A_20, %mul3A_62 : i32
      %add3A_64 = arith.constant 112 : i32
      %add3A_65 = arith.addi %mul3A_63, %add3A_64 : i32
      %get3A_66 = arith.index_cast %add3A_65 : i32 to index
      %get3A_67 = tpu.vector_load %arg6[%get3A_66] {strides = array<i32>} : memref<10240xi32, #tpu.memory_space<vmem>>, vector<16xi32>,
      tpu.vector_store_idx %arg5[%get3A_67], %broadcast_in_dim3A_7 {add = true} : memref<10240xf32, #tpu.memory_space<vmem>>[vector<16xi32>], vector<16xf32>,
    }
    "tpu.region"() ({
      %run_scoped3A = tpu.sem_alloc : memref<!tpu.dma_semaphore, #tpu.memory_space<semaphore_mem>>
      %dma_start3A = arith.constant 0 : i32
      %dma_start3A_20 = tpu.memref_slice %arg4[%add3A, %dma_start3A] : memref<32x10240xf32, #tpu.memory_space<hbm>> -> memref<1x10240xf32, #tpu.memory_space<hbm>>
      %dma_start3A_21 = tpu.memref_squeeze %dma_start3A_20 : memref<1x10240xf32, #tpu.memory_space<hbm>> -> memref<10240xf32, #tpu.memory_space<hbm>>
      %dma_start3A_22 = arith.constant 0 : i32
      %dma_start3A_23 = tpu.memref_slice %arg4[%add3A, %dma_start3A_22] : memref<32x10240xf32, #tpu.memory_space<hbm>> -> memref<1x10240xf32, #tpu.memory_space<hbm>>
      %dma_start3A_24 = tpu.memref_squeeze %dma_start3A_23 : memref<1x10240xf32, #tpu.memory_space<hbm>> -> memref<10240xf32, #tpu.memory_space<hbm>>
      tpu.enqueue_dma source(%arg5 : memref<10240xf32, #tpu.memory_space<vmem>>) target(%dma_start3A_24 : memref<10240xf32, #tpu.memory_space<hbm>>) target_semaphore(%run_scoped3A : memref<!tpu.dma_semaphore, #tpu.memory_space<semaphore_mem>>)
      %dma_wait3A = arith.constant 0 : i32
      %dma_wait3A_25 = tpu.memref_slice %arg4[%add3A, %dma_wait3A] : memref<32x10240xf32, #tpu.memory_space<hbm>> -> memref<1x10240xf32, #tpu.memory_space<hbm>>
      %dma_wait3A_26 = tpu.memref_squeeze %dma_wait3A_25 : memref<1x10240xf32, #tpu.memory_space<hbm>> -> memref<10240xf32, #tpu.memory_space<hbm>>
      %dma_wait3A_27 = arith.constant 0 : i32
      %dma_wait3A_28 = tpu.memref_slice %arg4[%add3A, %dma_wait3A_27] : memref<32x10240xf32, #tpu.memory_space<hbm>> -> memref<1x10240xf32, #tpu.memory_space<hbm>>
      %dma_wait3A_29 = tpu.memref_squeeze %dma_wait3A_28 : memref<1x10240xf32, #tpu.memory_space<hbm>> -> memref<10240xf32, #tpu.memory_space<hbm>>
      tpu.wait_dma2 semaphore(%run_scoped3A : memref<!tpu.dma_semaphore, #tpu.memory_space<semaphore_mem>>) src(%arg5 : memref<10240xf32, #tpu.memory_space<vmem>>) dst(%dma_wait3A_29 : memref<10240xf32, #tpu.memory_space<hbm>>)
      tpu.yield
    }) : () -> ()
    return
  }
}

</mosaic_0001>

<sc_bundles>
// kernel: _deg_call.3.cloned.1.call-start
scs
__scs_entry_jumppad:
0x0: {  	(pc) =	sbr.rel $0x88, $3  }
0x1: {  	(tag) =	ssettag $0x0;
	lr =	simm.s32 $0x1  }
0x2: {  	[smem:$0x3F9F] =	sst lr;
	_ =	strace $0xD0000000  }
0x3: {  	_ = 	snop  }
0x4: {  	_ = 	snop  }
0x5: {  	_ = 	snop  }
0x6: {  	_ = 	snop  }
0x7: {  	_ = 	snop  }
__scs_overlays_trampoline_lowered:
0x8: {  	[smem:$0x3FAE] =	sst s0  }
0x9: {  	[smem:$0x3FAF] =	sst s1  }
0xa: {  	[smem:$0x3FB0] =	sst s2  }
0xb: {  	[smem:$0x3FB1] =	sst s3  }
0xc: {  	[smem:$0x3FB2] =	sst s4  }
0xd: {  	[smem:$0x3FB3] =	sst s5  }
0xe: {  	[smem:$0x3FB4] =	sst s6  }
0xf: {  	[smem:$0x3FB5] =	sst s7  }
0x10: {  	[smem:$0x3FB6] =	sst s8  }
0x11: {  	[smem:$0x3FB7] =	sst s9;
	s0 =	simm.s32 @!p0 $0x0  }
0x12: {  	s1 =	sld [smem:$0x3F9D];
	s0 =	simm.s32 @p0 $0x1  }
0x13: {  	[smem:$0x3FB8] =	sst s0;
	s0 =	simm.s32 @!p1 $0x0  }
0x14: {  	s2 =	sld [smem:$0x3F9C];
	s0 =	simm.s32 @p1 $0x1  }
0x15: {  	[smem:$0x3FB9] =	sst s0;
	s0 =	simm.s32 @!p2 $0x0  }
0x16: {  	s3 =	sld [smem:$0x3FDB];
	s0 =	simm.s32 @p2 $0x1  }
0x17: {  	s4 =	simm.s32 $0x1BF5;
	[smem:$0x3FBB] =	sst s0  }
0x18: {  	s0 =	sld [smem:$0x3F9E];
	_ =	swait.ge [sflag:s4], $0x0  }
0x19: {  	s7 =	sld [smem:$0x3F9F]  }
0x1a: {  	s8 =	sadd.s32 $0xFFFFE003, lr  }
0x1b: {  	s9 =	sadd.s32 $0xFFFFFEF7, lr;
	s5 =	simm.s32 $0xFFFFFFFF;
	p2 =	slt.u32 s8, $0xFFFFF086  }
0x1c: {  	p1 =	slt.u32 s9, $0xF7A;
	s5 =	simm.s32 @!p2 $0x0  }
0x1d: {  	s5 =	simm.s32 @p1 $0x1;
	p0 =	seq.s32 s7, s2  }
0x1e: {  	s7 =	smul.u32 @!p0 $0xF7A, s2;
	p2 =	seq.s32 @!p0 s5, $0x0  }
0x1f: {  	s9 =	smul.u32 $0xF7A, s1;
	s8 =	simm.s32 @!p0 $0x1BF5;
	p2 =	por !p2, p0  }
0x20: {  	[sflag:s8] =	ssyncset.s32 @!p0 $0xFFFFF086;
	s6 =	sadd.s32 @!p0 s3, s7;
	s7 =	simm.s32 @!p0 $0x108  }
0x21: {  	s3 =	sadd.s32 s3, s9;
	s6 =	sadd.s32 @!p0 $0x88, s6;
	s7 =	simm.s32 @p2 $0x1082  }
0x22: {  	[simem:s7], [sflag:s8] =	dma.local @!p0 [hbm:s6], $0xF7A  }
0x23: {  	s9 =	sor.u32 $0xD0000000, s2;
	s6 =	simm.s32 $0x108;
	_ =	swait.ge @!p0 [sflag:s8], $0x0  }
0x24: {  	s3 =	sadd.s32 $0x88, s3;
	s6 =	simm.s32 @!p1 $0x1082;
	[sflag:s4] =	ssyncset.s32 $0xFFFFF086  }
0x25: {  	[simem:s6], [sflag:s4] =	dma.local [hbm:s3], $0xF7A  }
0x26: {  	[smem:$0x3F9F] =	sst s1;
	(tag) =	ssettag s2;
	_ =	strace s9  }
0x27: {  	s1 =	sld [smem:$0x3FAF]  }
0x28: {  	s2 =	sld [smem:$0x3FB0]  }
0x29: {  	s4 =	sld [smem:$0x3FB2]  }
0x2a: {  	p0 =	seq.s32 s5, $0x0;
	s5 =	sld [smem:$0x3FB3]  }
0x2b: {  	s6 =	sld [smem:$0x3FB4]  }
0x2c: {  	s7 =	sld [smem:$0x3FB5]  }
0x2d: {  	s3 =	simm.s32 $0x108;
	s8 =	sld [smem:$0x3FB6]  }
0x2e: {  	s3 =	simm.s32 @!p0 $0x1082;
	s9 =	sld [smem:$0x3FB7]  }
0x2f: {  	lr =	sadd.s32 s0, s3;
	s0 =	sld [smem:$0x3FAE]  }
0x30: {  	s3 =	sld [smem:$0x3FB1]  }
0x31: {  	[smem:$0x3FBA] =	sst s10  }
0x32: {  	s10 =	sld [smem:$0x3FB8];
	_ =	sdelay $0x3  }
0x33: {  	p0 =	seq.s32 s10, $0x1;
	s10 =	sld [smem:$0x3FBA];
	_ =	sdelay $0x3  }
0x34: {  	[smem:$0x3FBA] =	sst s10  }
0x35: {  	s10 =	sld [smem:$0x3FB9];
	_ =	sdelay $0x3  }
0x36: {  	p1 =	seq.s32 s10, $0x1;
	s10 =	sld [smem:$0x3FBA];
	_ =	sdelay $0x3  }
0x37: {  	[smem:$0x3FBA] =	sst s10  }
0x38: {  	s10 =	sld [smem:$0x3FBB]  }
0x39: {  	_ = 	snop;
	(pc) =	sbr.ind lr, $3  }
0x3a: {  	_ = 	snop  }
0x3b: {  	_ = 	snop  }
0x3c: {  	p2 =	seq.s32 s10, $0x1;
	s10 =	sld [smem:$0x3FBA]  }
0x3d: {  	_ =	shalt  }
0x3e: {  	_ =	shalt  }
0x3f: {  	_ =	shalt  }
0x40: {  	_ =	shalt  }
0x41: {  	_ =	shalt  }
0x42: {  	_ =	shalt  }
0x43: {  	_ =	shalt  }
0x44: {  	_ =	shalt  }
0x45: {  	_ =	shalt  }
0x46: {  	_ =	shalt  }
0x47: {  	_ =	shalt  }
0x48: {  	_ =	shalt  }
0x49: {  	_ =	shalt  }
0x4a: {  	_ =	shalt  }
0x4b: {  	_ =	shalt  }
0x4c: {  	_ =	shalt  }
0x4d: {  	_ =	shalt  }
0x4e: {  	_ =	shalt  }
0x4f: {  	_ =	shalt  }
0x50: {  	_ =	shalt  }
0x51: {  	_ =	shalt  }
0x52: {  	_ =	shalt  }
0x53: {  	_ =	shalt  }
0x54: {  	_ =	shalt  }
0x55: {  	_ =	shalt  }
0x56: {  	_ =	shalt  }
0x57: {  	_ =	shalt  }
0x58: {  	_ =	shalt  }
0x59: {  	_ =	shalt  }
0x5a: {  	_ =	shalt  }
0x5b: {  	_ =	shalt  }
0x5c: {  	_ =	shalt  }
0x5d: {  	_ =	shalt  }
0x5e: {  	_ =	shalt  }
0x5f: {  	_ =	shalt  }
0x60: {  	_ =	shalt  }
0x61: {  	_ =	shalt  }
0x62: {  	_ =	shalt  }
0x63: {  	_ =	shalt  }
0x64: {  	_ =	shalt  }
0x65: {  	_ =	shalt  }
0x66: {  	_ =	shalt  }
0x67: {  	_ =	shalt  }
0x68: {  	_ =	shalt  }
0x69: {  	_ =	shalt  }
0x6a: {  	_ =	shalt  }
0x6b: {  	_ =	shalt  }
0x6c: {  	_ =	shalt  }
0x6d: {  	_ =	shalt  }
0x6e: {  	_ =	shalt  }
0x6f: {  	_ =	shalt  }
0x70: {  	_ =	shalt  }
0x71: {  	_ =	shalt  }
0x72: {  	_ =	shalt  }
0x73: {  	_ =	shalt  }
0x74: {  	_ =	shalt  }
0x75: {  	_ =	shalt  }
0x76: {  	_ =	shalt  }
0x77: {  	_ =	shalt  }
0x78: {  	_ =	shalt  }
0x79: {  	_ =	shalt  }
0x7a: {  	_ =	shalt  }
0x7b: {  	_ =	shalt  }
0x7c: {  	_ =	shalt  }
0x7d: {  	_ =	shalt  }
0x7e: {  	_ =	shalt  }
0x7f: {  	_ =	shalt  }
0x80: {  	_ =	shalt  }
0x81: {  	_ =	shalt  }
0x82: {  	_ =	shalt  }
0x83: {  	_ =	shalt  }
0x84: {  	_ =	shalt  }
0x85: {  	_ =	shalt  }
0x86: {  	_ =	shalt  }
0x87: {  	_ =	shalt  }
.Lfunc_end0:
.L_simem_size_0:
called_computation_lowered:
.L_overlay_start_0:
0x88: {  	s2 =	sld [smem:$0x3FD9]  }
0x89: {  	s3 =	sld [smem:$0x3FFE];
	_ =	sdelay $0x1  }
0x8a: {  	s1 =	srdreg.scid  }
0x8b: {  	s0 =	sand.u32 $0x1, s1  }
0x8c: {  	s18 =	sshll.u32 s0, $0xA;
	s2 =	sadd.s32 s3, s2  }
0x8d: {  	s2 =	sadd.s32 s2, s18  }
0x8e: {  	[smem:$0x3FC6] =	sst s2  }
0x8f: {  	_ = 	snop  }
0x90: {  	s2 =	sld [smem:$0x3FC9]  }
0x91: {  	s19 =	sld [smem:$0x3FC8]  }
0x92: {  	s4 =	sld [smem:$0x3FD0];
	(tm) =	ssettm $0x1  }
0x93: {  	s5 =	sld [smem:$0x3FFB];
	_ =	sdelay $0x3  }
0x94: {  	_ =	strace s5  }
0x95: {  	s5 =	sld [smem:$0x3FFC];
	_ =	sdelay $0x3  }
0x96: {  	_ =	strace s5  }
0x97: {  	s5 =	sld [smem:$0x3FFD];
	_ =	sdelay $0x3  }
0x98: {  	_ =	strace s5  }
0x99: {  	_ =	strace $0x8FFFFFFF  }
0x9a: {  	s20 =	sld [smem:$0x3FDB];
	_ =	sdelay $0x1  }
0x9b: {  	s6 =	simm.s32 $_scs_section_size  }
0x9c: {  	s7 =	simm.s32 $_size__tile_overlayer_lowered;
	s8 =	simm.s32 $_tile_overlayer_lowered  }
0x9d: {  	s23 =	simm.s32 $0x1BFF;
	s22 =	sshll.u32 s8, $0x1;
	s5 =	sadd.s32 s6, s20  }
0x9e: {  	s9 =	simm.s32 $0x0;
	s21 =	sshll.u32 s7, $0x1;
	s7 =	sadd.s32 s22, s5  }
0x9f: {  	[timem:s9], [sflag:s23] =	dma.local [hbm:s7], s21  }
0xa0: {  	_ =	swait.ge [sflag:s23], s21  }
0xa1: {  	s6 =	ssub.s32 $0x0, s21;
	[sflag:s23] =	ssyncset.done $0x0  }
0xa2: {  	[sflag:s23] =	ssyncadd.s32 s6;
	_ =	sdelay $0x1  }
0xa3: {  	s24 =	simm.s32 $0x1B8B  }
0xa4: {  	_ =	swait.ge [sflag:s24], $0x1  }
0xa5: {  	[sflag:s24] =	ssyncset.done $0x0  }
0xa6: {  	s25 =	simm.s32 $0x1B8E;
	[sflag:s24] =	ssyncadd.s32 $0xFFFFFFFF  }
0xa7: {  	s26 =	simm.s32 $execute0_lowered;
	[smem:$0x3FD2] =	sst s25  }
0xa8: {  	s6 =	sshll.u32 s26, $0x1;
	_ =	strace $0x80000046;
	[dreg:$0x1] =	wrdreg $0xFFFFFFFF  }
0xa9: {  	s28 =	simm.s32 $_size_execute0_lowered;
	s5 =	sadd.s32 s5, s6;
	[dreg:$0x0] =	wrdreg $0x0  }
0xaa: {  	s6 =	sshll.u32 s28, $0x1;
	[dreg:$0x2] =	wrdreg s5  }
0xab: {  	[dreg:$0x3] =	wrdreg s6  }
0xac: {  	[dreg:$0x4] =	wrdreg $0xC0  }
0xad: {  	_ =	task [dreg:s9], $0x5FFFF  }
0xae: {  	[dreg:$0x1] =	wrdreg $0xFFFFFFFF  }
0xaf: {  	[dreg:$0x0] =	wrdreg $0x60  }
0xb0: {  	[dreg:$0x2] =	wrdreg s2  }
0xb1: {  	[dreg:$0x3] =	wrdreg s19  }
0xb2: {  	[dreg:$0x4] =	wrdreg s4  }
0xb3: {  	[dreg:$0x5] =	wrdreg $0x9  }
0xb4: {  	_ =	task.clear_ibuf [dreg:s9], $0x6FFFF;
	_ =	strace $0x90000046  }
0xb5: {  	s29 =	simm.s32 $0x9;
	_ =	strace $0x80000048  }
0xb6: {  	_ =	swait.ge [sflag:s29], $0x1  }
0xb7: {  	[sflag:s29] =	ssyncadd.s32 $0xFFFFFFFF  }
0xb8: {  	_ =	strace $0x90000048  }
0xb9: {  	_ =	sfence  }
0xba: {  	s30 =	sld [smem:$0x0];
	_ =	sdelay $0x2  }
0xbb: {  	s31 =	sshll.u32 s1, $0xD;
	s1 =	sshrl.u32 s1, $0x2  }
0xbc: {  	s3 =	sand.u32 $0x4000, s31;
	s1 =	sadd.s32 s1, s30  }
0xbd: {  	s0 =	sor.u32 s3, s0;
	s1 =	sshll.u32 s1, $0x11  }
0xbe: {  	s0 =	sor.u32 s1, s0  }
0xbf: {  	s0 =	sadd.s32 $0x8F2B, s0  }
0xc0: {  	[sflag:s0] =	ssyncadd.remote.s32 $0x1  }
0xc1: {  	_ =	sfence.sel $0xFFFF  }
0xc2: {  	[dreg:$0x0] =	wrdreg $0xFFFFFFFF;
	(pc) =	sbr.abs _section_cstart, $3  }
0xc3: {  	[dreg:$0x1] =	wrdreg $0xFFFFFFFF  }
0xc4: {  	_ =	task.clear_ibuf [dreg:s9], $0x2FFFF;
	_ =	strace $0x9FFFFFFF  }
0xc5: {  	(tm) =	ssettm $0x7FFFFFFF  }
tec
execute0_lowered:
.L_overlay_start_1:
0x0: {  	(tag) =	ssettag $0x1  }
0x1: {  	s5 =	rddreg [dreg:$0x0]  }
0x2: {  	s2 =	rddreg [dreg:$0x1]  }
0x3: {  	s1 =	srdreg.scid;
	s0 =	stileid.u32  }
0x4: {  	s6 =	rddreg [dreg:$0x2];
	s4 =	sand.u32 $0x1, s1;
	s3 =	sshll.u32 s0, $0x1  }
0x5: {  	s1 =	rddreg [dreg:$0x3];
	s7 =	sshrl.u32 s0, $0x2;
	s8 =	sor.u32 s4, s3  }
0x6: {  	s3 =	simm.s32 $0x0;
	s7 =	smul.u32 $0x14000, s7;
	s4 =	ssub.s32 $0x2, s4  }
0x7: {  	s9 =	sshll.u32 s8, $0x7;
	[smem:$0x7FF] =	sst s3;
	s10 =	sshrl.u32 s4, $0x1  }
0x8: {  	s11 =	smul.u32 $0xA00, s8;
	p0 =	seq.s32 s8, $0x1F;
	s8 =	simm.s32 $0x1  }
0x9: {  	s9 =	sand.u32 $0x380, s9;
	_ =	strace $0x80000047;
	s31 =	ssub.s32 s4, s10  }
0xa: {  	s10 =	simm.s32 $0x400;
	s7 =	sor.u32 s7, s9;
	s4 =	sadd.s32 s5, s11  }
0xb: {  	s5 =	sadd.s32 $0x13600, s5;
	s9 =	simm.s32 $0x80;
	s7 =	sshrl.u32 s7, $0x3  }
0xc: {  	v0 =	vimm.f32 $1.000000000e+00;
	s11 =	simm.s32 $0x0;
	s6 =	sadd.s32 s6, s7;
	s7 =	smax.u32 s31, $0x1  }
.LBB2_1:
0xd: {  	[tilespmem:s3], [sflag:$0x1] =	stream.linear.gather [hbm4b:s2+s3], $0x2800, $0x38;
	[tilespmem:$0x5000] =	vst v63  }
0xe: {  	_ =	swait.ge [sflag:s8], $0x2800  }
0xf: {  	s12 =	simm.s32 @p0 $0x80;
	[sflag:s8] =	ssyncset.done $0x0  }
0x10: {  	s13 =	simm.s32 @p0 $0x100;
	s14 =	simm.s32 @p0 $0x2800;
	[sflag:s8] =	ssyncadd.s32 $0xFFFFD800  }
0x11: {  	[tilespmem:s14], [sflag:$0x1] =	stream.strided.gather @p0 [hbm4b:s5+s12], $0xA00, s13, s12, $0x38;
	[tilespmem:$0x5000] =	vst v63  }
0x12: {  	s12 =	simm.s32 @p0 $0x1  }
0x13: {  	_ =	swait.ge @p0 [sflag:s12], $0xA00  }
0x14: {  	s13 =	simm.s32 @!p0 $0x100;
	[sflag:s12] =	ssyncset.done @p0 $0x0  }
0x15: {  	s14 =	simm.s32 @!p0 $0x2800;
	[sflag:s12] =	ssyncadd.s32 @p0 $0xFFFFF600;
	s12 =	simm.s32 @!p0 $0x80  }
0x16: {  	[tilespmem:s14], [sflag:$0x1] =	stream.strided.gather @!p0 [hbm4b:s4+s12], $0x2800, s13, s12, $0x38;
	[tilespmem:$0x5000] =	vst v63  }
0x17: {  	s13 =	simm.s32 @!p0 $0x1  }
0x18: {  	_ =	swait.ge @!p0 [sflag:s13], $0x2800  }
0x19: {  	s12 =	simm.s32 @!p0 $0x50;
	[sflag:s13] =	ssyncset.done @!p0 $0x0  }
0x1a: {  	s12 =	simm.s32 @p0 $0x14;
	[sflag:s13] =	ssyncadd.s32 @!p0 $0xFFFFD800;
	s13 =	simm.s32 $0x2840  }
.LBB2_2:
0x1b: {  	v1 =	vld [tilespmem:s13+$0xFFFFFFC0];
	_ =	sdelay $0x7  }
0x1c: {  	[tilespmem:v1+s3+$0x0] =	vst.idx.add.f32.msk $0xffff, v0  }
0x1d: {  	v1 =	vld [tilespmem:s13+$0xFFFFFFD0];
	_ =	sdelay $0x7  }
0x1e: {  	[tilespmem:v1+s3+$0x0] =	vst.idx.add.f32.msk $0xffff, v0  }
0x1f: {  	v1 =	vld [tilespmem:s13+$0xFFFFFFE0];
	_ =	sdelay $0x7  }
0x20: {  	[tilespmem:v1+s3+$0x0] =	vst.idx.add.f32.msk $0xffff, v0  }
0x21: {  	v1 =	vld [tilespmem:s13+$0xFFFFFFF0];
	_ =	sdelay $0x7  }
0x22: {  	[tilespmem:v1+s3+$0x0] =	vst.idx.add.f32.msk $0xffff, v0  }
0x23: {  	v1 =	vld [tilespmem:s13+$0x0];
	_ =	sdelay $0x7  }
0x24: {  	[tilespmem:v1+s3+$0x0] =	vst.idx.add.f32.msk $0xffff, v0  }
0x25: {  	v1 =	vld [tilespmem:s13+$0x10];
	_ =	sdelay $0x7  }
0x26: {  	[tilespmem:v1+s3+$0x0] =	vst.idx.add.f32.msk $0xffff, v0  }
0x27: {  	v1 =	vld [tilespmem:s13+$0x20];
	_ =	sdelay $0x7  }
0x28: {  	[tilespmem:v1+s3+$0x0] =	vst.idx.add.f32.msk $0xffff, v0  }
0x29: {  	v1 =	vld [tilespmem:s13+$0x30];
	_ =	sdelay $0x2  }
0x2a: {  	p1 =	sne.s32 s12, $0x1  }
.Ltmp0:
0x2b: {  	_ = 	snop;
	(pc) =	sbr.rel @p1 .LBB2_2-.Ltmp0, $2  }
0x2c: {  	_ =	sdelay $0x2  }
0x2d: {  	s12 =	sadd.s32 $0xFFFFFFFF, s12;
	s13 =	sadd.s32 $0x80, s13;
	[tilespmem:v1+s3+$0x0] =	vst.idx.add.f32.msk $0xffff, v0  }
0x2e: {  	s11 =	sadd.s32 $0x1, s11  }
0x2f: {  	p1 =	sne.s32 s11, s7  }
.Ltmp1:
0x30: {  	_ = 	snop;
	(pc) =	sbr.rel @p1 .LBB2_1-.Ltmp1, $4  }
0x31: {  	[hbm4b:s6+s9] =	stream.strided.scatter [tilespmem:s3], [sflag:$0x1], $0x2800, s10, s9, $0x38;
	[tilespmem:$0x5000] =	vst v63  }
0x32: {  	_ =	swait.ge [sflag:s8], $0x2800  }
0x33: {  	[sflag:s8] =	ssyncset.done $0x0  }
0x34: {  	[sflag:s8] =	ssyncadd.s32 $0xFFFFD800  }
0x35: {  	_ =	sfence.sel $0x180000  }
0x36: {  	[bflag:$0x0] =	sbarrier.arrive $0xFFFF  }
0x37: {  	p0 =	sne.s32 s0, $0x0;
	_ =	strace $0x90000047  }
0x38: {  	s0 =	sadd.s32 @!p0 $0x100000, s1;
	[bflag:$0x2] =	sbarrier.arrive $0xFFFF  }
0x39: {  	[sflag:s0] =	ssyncadd.tile.s32 @!p0 $0x1;
	_ =	shalt  }
.Lfunc_end2:
_tile_overlayer_lowered:
.L_overlay_start_2:
0x3a: {  	(tag) =	ssettag $0x2  }
0x3b: {  	s0 =	rddreg [dreg:$0x0];
	s2 =	stileid.u32  }
0x3c: {  	s1 =	rddreg [dreg:$0x1];
	p0 =	sne.s32 s2, $0x0  }
0x3d: {  	s3 =	rddreg [dreg:$0x2];
	[bflag:$0x3] =	sbarrier.arrive $0xFFFF;
	s2 =	simm.s32 @!p0 $0x1C01  }
0x3e: {  	[timem:s3], [sflag:s2] =	dma.local @!p0 [hbm:s0], s1  }
0x3f: {  	s0 =	simm.s32 @!p0 $0x1  }
0x40: {  	_ =	swait.ge @!p0 [sflag:s0], s1  }
0x41: {  	s1 =	ssub.s32 @!p0 $0x0, s1;
	[sflag:s0] =	ssyncset.done @!p0 $0x0  }
0x42: {  	[sflag:s0] =	ssyncadd.s32 @!p0 s1  }
0x43: {  	[bflag:$0x3] =	sbarrier.arrive $0xFFFF  }
0x44: {  	_ =	shalt  }

</sc_bundles>
